<compile_context>
chip_gen: v7x
topology: tpu7x:2x2x1
jax: 0.10.2.dev20260603
libtpu: 0.0.44.dev20260713+nightly
codegen_flags: <defaults>
</compile_context>

<pallas_src>
import functools

import jax
import jax.numpy as jnp
from jax import lax
from jax.experimental import pallas as pl
from jax.experimental.pallas import tpu as pltpu
from jax.experimental.pallas import tpu_sc as plsc

DIM = 128
NC = 2
NS = 16
NW = NC * NS
NBUF = 2
LAG = 1


@functools.partial(jax.jit, static_argnames=("n_pos", "n_sent"))
def _sc_gather(table, idx_t, n_pos, n_sent):
    cols = n_sent // NW
    mesh = plsc.VectorSubcoreMesh(core_axis_name="c", subcore_axis_name="s")

    @functools.partial(
        pl.kernel,
        mesh=mesh,
        out_type=jax.ShapeDtypeStruct((n_pos, n_sent, DIM), jnp.float32),
        scratch_types=[
            pltpu.VMEM((n_pos, cols), jnp.int32),
            pltpu.VMEM((NBUF, cols, DIM), jnp.float32),
            pltpu.SemaphoreType.DMA((NBUF,)),
            pltpu.SemaphoreType.DMA((NBUF,)),
        ],
    )
    def k(table_hbm, idx_hbm, out_hbm, idx_v, rows_v, gsems, osems):
        wid = lax.axis_index("s") * NC + lax.axis_index("c")
        col0 = wid * cols
        pltpu.sync_copy(idx_hbm.at[:, pl.ds(col0, cols)], idx_v)
        for b in range(NBUF):
            pltpu.make_async_copy(
                table_hbm.at[idx_v.at[b]], rows_v.at[b], gsems.at[b]
            ).start()

        def step(s, carry):
            for b in range(NBUF):
                j = s * NBUF + b
                pltpu.make_async_copy(
                    table_hbm.at[idx_v.at[j]], rows_v.at[b], gsems.at[b]
                ).wait()
                pltpu.make_async_copy(
                    rows_v.at[b], out_hbm.at[j, pl.ds(col0, cols)], osems.at[b]
                ).start()
                br = (b - LAG) % NBUF
                c = j + NBUF - LAG

                @pl.when(jnp.logical_and(c >= NBUF, c < n_pos))
                def _():
                    pltpu.make_async_copy(
                        rows_v.at[br], out_hbm.at[c - NBUF, pl.ds(col0, cols)],
                        osems.at[br],
                    ).wait()
                    pltpu.make_async_copy(
                        table_hbm.at[idx_v.at[c]], rows_v.at[br], gsems.at[br]
                    ).start()

            return carry

        lax.fori_loop(0, n_pos // NBUF, step, 0)
        for c in range(n_pos - NBUF, n_pos):
            pltpu.make_async_copy(
                rows_v.at[c % NBUF],
                out_hbm.at[c, pl.ds(col0, cols)],
                osems.at[c % NBUF],
            ).wait()

    return k(table, idx_t)


def kernel(word_vector, table):
    n_sent, n_pos = word_vector.shape
    idx_t = word_vector.T.astype(jnp.int32)
    out_t = _sc_gather(table, idx_t, n_pos, n_sent)
    return out_t.transpose(1, 0, 2)

# --- scband reference (transcript-rebuilt; emitter-appended) ---
"""Pipeline reference for scband-embedding-9036611191411 (READ-ONLY COPY).

The authoritative reference and input builder live on the scoring server;
editing this copy changes nothing except your own understanding.
"""

import jax, jax.numpy as jnp
import numpy as np

VOCAB = 100000
DIM = 128

def setup_inputs(seed: int = 0) -> dict:
    key = jax.random.key(seed)
    k1, k2 = jax.random.split(key)
    word_vector = jax.random.randint(k1, (4096, 50), 0, VOCAB, dtype=jnp.int64 if jax.config.jax_enable_x64 else jnp.int32)
    table = jax.random.normal(k2, (VOCAB, DIM), dtype=jnp.float32)
    return {"word_vector": word_vector, "table": table}

def reference(word_vector, table):
    # nn.Embedding forward: row gather from the embedding table
    return jnp.take(table, word_vector, axis=0)

if __name__ == "__main__":
    import jax
    _d = setup_inputs()
    print(jax.jit(kernel)(*tuple(_d.values())))

</pallas_src>

<mosaic_0001>
#map = affine_map<(d0, d1) -> (0, 0)>
#map1 = affine_map<(d0, d1) -> (0, 0, 0)>
module attributes {stable_mosaic.version = 14 : i64} {
  func.func @k(%arg0: i32, %arg1: i32, %arg2: memref<100000x128xf32, #tpu.memory_space<hbm>>, %arg3: memref<50x4096xi32, #tpu.memory_space<hbm>>, %arg4: memref<50x4096x128xf32, #tpu.memory_space<hbm>>, %arg5: memref<50x128xi32, #tpu.memory_space<vmem>>, %arg6: memref<2x128x128xf32, #tpu.memory_space<vmem>>, %arg7: memref<2x!tpu.dma_semaphore, #tpu.memory_space<semaphore_mem>>, %arg8: memref<2x!tpu.dma_semaphore, #tpu.memory_space<semaphore_mem>>) attributes {dimension_semantics = [#tpu.dimension_semantics<core_parallel>, #tpu.dimension_semantics<subcore_parallel>], iteration_bounds = array<i64: 2, 16>, scalar_prefetch = 0 : i64, scratch_operands = 4 : i64, tpu.core_type = #tpu.core_type<sc_vector_subcore>, window_params = [{transform_indices = #map}, {transform_indices = #map}, {transform_indices = #map1}]} {
    %mul3A = arith.constant 2 : i32
    %mul3A_0 = arith.muli %arg1, %mul3A : i32
    %add3A = arith.addi %mul3A_0, %arg0 : i32
    %mul3A_1 = arith.constant 128 : i32
    %mul3A_2 = arith.muli %add3A, %mul3A_1 : i32
    "tpu.region"() ({
      %run_scoped3A = tpu.sem_alloc : memref<!tpu.dma_semaphore, #tpu.memory_space<semaphore_mem>>
      %dma_start3A_74 = arith.constant 0 : i32
      %dma_start3A_75 = tpu.memref_slice %arg3[%dma_start3A_74, %mul3A_2] : memref<50x4096xi32, #tpu.memory_space<hbm>> -> memref<50x128xi32, #tpu.memory_space<hbm>>
      %dma_start3A_76 = arith.constant 0 : i32
      %dma_start3A_77 = tpu.memref_slice %arg3[%dma_start3A_76, %mul3A_2] : memref<50x4096xi32, #tpu.memory_space<hbm>> -> memref<50x128xi32, #tpu.memory_space<hbm>>
      tpu.enqueue_dma source(%dma_start3A_77 : memref<50x128xi32, #tpu.memory_space<hbm>>) target(%arg5 : memref<50x128xi32, #tpu.memory_space<vmem>>) target_semaphore(%run_scoped3A : memref<!tpu.dma_semaphore, #tpu.memory_space<semaphore_mem>>)
      %dma_wait3A_78 = arith.constant 0 : i32
      %dma_wait3A_79 = tpu.memref_slice %arg3[%dma_wait3A_78, %mul3A_2] : memref<50x4096xi32, #tpu.memory_space<hbm>> -> memref<50x128xi32, #tpu.memory_space<hbm>>
      %dma_wait3A_80 = arith.constant 0 : i32
      %dma_wait3A_81 = tpu.memref_slice %arg3[%dma_wait3A_80, %mul3A_2] : memref<50x4096xi32, #tpu.memory_space<hbm>> -> memref<50x128xi32, #tpu.memory_space<hbm>>
      tpu.wait_dma2 semaphore(%run_scoped3A : memref<!tpu.dma_semaphore, #tpu.memory_space<semaphore_mem>>) src(%dma_wait3A_81 : memref<50x128xi32, #tpu.memory_space<hbm>>) dst(%arg5 : memref<50x128xi32, #tpu.memory_space<vmem>>)
      tpu.yield
    }) : () -> ()
    %dma_start3A = arith.constant 0 : i32
    %dma_start3A_3 = arith.constant 0 : i32
    %dma_start3A_4 = arith.constant 0 : i32
    %dma_start3A_5 = arith.constant 0 : i32
    %dma_start3A_6 = arith.constant 0 : i32
    %dma_start3A_7 = tpu.memref_slice %arg6[%dma_start3A_3, %dma_start3A_5, %dma_start3A_6] : memref<2x128x128xf32, #tpu.memory_space<vmem>> -> memref<1x128x128xf32, #tpu.memory_space<vmem>>
    %dma_start3A_8 = tpu.memref_squeeze %dma_start3A_7 : memref<1x128x128xf32, #tpu.memory_space<vmem>> -> memref<128x128xf32, #tpu.memory_space<vmem>>
    %dma_start3A_9 = arith.constant 0 : i32
    %dma_start3A_10 = tpu.memref_slice %arg5[%dma_start3A, %dma_start3A_9] : memref<50x128xi32, #tpu.memory_space<vmem>> -> memref<1x128xi32, #tpu.memory_space<vmem>>
    %dma_start3A_11 = tpu.memref_squeeze %dma_start3A_10 : memref<1x128xi32, #tpu.memory_space<vmem>> -> memref<128xi32, #tpu.memory_space<vmem>>
    %dma_start3A_12 = arith.constant 0 : i32
    %dma_start3A_13 = arith.constant 0 : i32
    %dma_start3A_14 = tpu.memref_slice %arg2[%dma_start3A_12, %dma_start3A_13] : memref<100000x128xf32, #tpu.memory_space<hbm>> -> memref<100000x128xf32, #tpu.memory_space<hbm>>
    %dma_start3A_15 = tpu.memref_slice %arg7[%dma_start3A_4] : memref<2x!tpu.dma_semaphore, #tpu.memory_space<semaphore_mem>> -> memref<1x!tpu.dma_semaphore, #tpu.memory_space<semaphore_mem>>
    %dma_start3A_16 = tpu.memref_squeeze %dma_start3A_15 : memref<1x!tpu.dma_semaphore, #tpu.memory_space<semaphore_mem>> -> memref<!tpu.dma_semaphore, #tpu.memory_space<semaphore_mem>>
    tpu.enqueue_indirect_dma source(%dma_start3A_14 : memref<100000x128xf32, #tpu.memory_space<hbm>>) target(%dma_start3A_8 : memref<128x128xf32, #tpu.memory_space<vmem>>) offsets(%dma_start3A_11 : memref<128xi32, #tpu.memory_space<vmem>>) semaphore(%dma_start3A_16 : memref<!tpu.dma_semaphore, #tpu.memory_space<semaphore_mem>>)
    %dma_start3A_17 = arith.constant 1 : i32
    %dma_start3A_18 = arith.constant 1 : i32
    %dma_start3A_19 = arith.constant 1 : i32
    %dma_start3A_20 = arith.constant 0 : i32
    %dma_start3A_21 = arith.constant 0 : i32
    %dma_start3A_22 = tpu.memref_slice %arg6[%dma_start3A_18, %dma_start3A_20, %dma_start3A_21] : memref<2x128x128xf32, #tpu.memory_space<vmem>> -> memref<1x128x128xf32, #tpu.memory_space<vmem>>
    %dma_start3A_23 = tpu.memref_squeeze %dma_start3A_22 : memref<1x128x128xf32, #tpu.memory_space<vmem>> -> memref<128x128xf32, #tpu.memory_space<vmem>>
    %dma_start3A_24 = arith.constant 0 : i32
    %dma_start3A_25 = tpu.memref_slice %arg5[%dma_start3A_17, %dma_start3A_24] : memref<50x128xi32, #tpu.memory_space<vmem>> -> memref<1x128xi32, #tpu.memory_space<vmem>>
    %dma_start3A_26 = tpu.memref_squeeze %dma_start3A_25 : memref<1x128xi32, #tpu.memory_space<vmem>> -> memref<128xi32, #tpu.memory_space<vmem>>
    %dma_start3A_27 = arith.constant 0 : i32
    %dma_start3A_28 = arith.constant 0 : i32
    %dma_start3A_29 = tpu.memref_slice %arg2[%dma_start3A_27, %dma_start3A_28] : memref<100000x128xf32, #tpu.memory_space<hbm>> -> memref<100000x128xf32, #tpu.memory_space<hbm>>
    %dma_start3A_30 = tpu.memref_slice %arg7[%dma_start3A_19] : memref<2x!tpu.dma_semaphore, #tpu.memory_space<semaphore_mem>> -> memref<1x!tpu.dma_semaphore, #tpu.memory_space<semaphore_mem>>
    %dma_start3A_31 = tpu.memref_squeeze %dma_start3A_30 : memref<1x!tpu.dma_semaphore, #tpu.memory_space<semaphore_mem>> -> memref<!tpu.dma_semaphore, #tpu.memory_space<semaphore_mem>>
    tpu.enqueue_indirect_dma source(%dma_start3A_29 : memref<100000x128xf32, #tpu.memory_space<hbm>>) target(%dma_start3A_23 : memref<128x128xf32, #tpu.memory_space<vmem>>) offsets(%dma_start3A_26 : memref<128xi32, #tpu.memory_space<vmem>>) semaphore(%dma_start3A_31 : memref<!tpu.dma_semaphore, #tpu.memory_space<semaphore_mem>>)
    %scan3A = arith.constant 0 : i32
    %scan3A_32 = arith.constant 0 : i32
    %scan3A_33 = arith.constant 25 : i32
    %scan3A_34 = arith.addi %scan3A_32, %scan3A_33 : i32
    %scan3A_35 = arith.constant 1 : i32
    scf.for %scan3A_74 = %scan3A_32 to %scan3A_34 step %scan3A_35  : i32 {
      %mul3A_75 = arith.constant 2 : i32
      %mul3A_76 = arith.muli %scan3A_74, %mul3A_75 : i32
      %add3A_77 = arith.constant 0 : i32
      %add3A_78 = arith.addi %mul3A_76, %add3A_77 : i32
      %dma_wait3A_79 = arith.constant 0 : i32
      %dma_wait3A_80 = arith.constant 0 : i32
      %dma_wait3A_81 = arith.constant 0 : i32
      %dma_wait3A_82 = arith.constant 0 : i32
      %dma_wait3A_83 = tpu.memref_slice %arg6[%dma_wait3A_79, %dma_wait3A_81, %dma_wait3A_82] : memref<2x128x128xf32, #tpu.memory_space<vmem>> -> memref<1x128x128xf32, #tpu.memory_space<vmem>>
      %dma_wait3A_84 = tpu.memref_squeeze %dma_wait3A_83 : memref<1x128x128xf32, #tpu.memory_space<vmem>> -> memref<128x128xf32, #tpu.memory_space<vmem>>
      %dma_wait3A_85 = arith.constant 0 : i32
      %dma_wait3A_86 = tpu.memref_slice %arg5[%add3A_78, %dma_wait3A_85] : memref<50x128xi32, #tpu.memory_space<vmem>> -> memref<1x128xi32, #tpu.memory_space<vmem>>
      %dma_wait3A_87 = tpu.memref_squeeze %dma_wait3A_86 : memref<1x128xi32, #tpu.memory_space<vmem>> -> memref<128xi32, #tpu.memory_space<vmem>>
      %dma_wait3A_88 = arith.constant 0 : i32
      %dma_wait3A_89 = arith.constant 0 : i32
      %dma_wait3A_90 = tpu.memref_slice %arg2[%dma_wait3A_88, %dma_wait3A_89] : memref<100000x128xf32, #tpu.memory_space<hbm>> -> memref<100000x128xf32, #tpu.memory_space<hbm>>
      %dma_wait3A_91 = tpu.memref_slice %arg7[%dma_wait3A_80] : memref<2x!tpu.dma_semaphore, #tpu.memory_space<semaphore_mem>> -> memref<1x!tpu.dma_semaphore, #tpu.memory_space<semaphore_mem>>
      %dma_wait3A_92 = tpu.memref_squeeze %dma_wait3A_91 : memref<1x!tpu.dma_semaphore, #tpu.memory_space<semaphore_mem>> -> memref<!tpu.dma_semaphore, #tpu.memory_space<semaphore_mem>>
      tpu.wait_indirect_dma semaphore(%dma_wait3A_92 : memref<!tpu.dma_semaphore, #tpu.memory_space<semaphore_mem>>) src(%dma_wait3A_90 : memref<100000x128xf32, #tpu.memory_space<hbm>>) dst(%dma_wait3A_84 : memref<128x128xf32, #tpu.memory_space<vmem>>)
      %dma_start3A_93 = arith.constant 0 : i32
      %dma_start3A_94 = arith.constant 0 : i32
      %dma_start3A_95 = arith.constant 0 : i32
      %dma_start3A_96 = arith.constant 0 : i32
      %dma_start3A_97 = tpu.memref_slice %arg6[%dma_start3A_93, %dma_start3A_95, %dma_start3A_96] : memref<2x128x128xf32, #tpu.memory_space<vmem>> -> memref<1x128x128xf32, #tpu.memory_space<vmem>>
      %dma_start3A_98 = tpu.memref_squeeze %dma_start3A_97 : memref<1x128x128xf32, #tpu.memory_space<vmem>> -> memref<128x128xf32, #tpu.memory_space<vmem>>
      %dma_start3A_99 = arith.constant 0 : i32
      %dma_start3A_100 = tpu.memref_slice %arg4[%add3A_78, %mul3A_2, %dma_start3A_99] : memref<50x4096x128xf32, #tpu.memory_space<hbm>> -> memref<1x128x128xf32, #tpu.memory_space<hbm>>
      %dma_start3A_101 = tpu.memref_squeeze %dma_start3A_100 : memref<1x128x128xf32, #tpu.memory_space<hbm>> -> memref<128x128xf32, #tpu.memory_space<hbm>>
      %dma_start3A_102 = tpu.memref_slice %arg8[%dma_start3A_94] : memref<2x!tpu.dma_semaphore, #tpu.memory_space<semaphore_mem>> -> memref<1x!tpu.dma_semaphore, #tpu.memory_space<semaphore_mem>>
      %dma_start3A_103 = tpu.memref_squeeze %dma_start3A_102 : memref<1x!tpu.dma_semaphore, #tpu.memory_space<semaphore_mem>> -> memref<!tpu.dma_semaphore, #tpu.memory_space<semaphore_mem>>
      %dma_start3A_104 = arith.constant 0 : i32
      %dma_start3A_105 = tpu.memref_slice %arg4[%add3A_78, %mul3A_2, %dma_start3A_104] : memref<50x4096x128xf32, #tpu.memory_space<hbm>> -> memref<1x128x128xf32, #tpu.memory_space<hbm>>
      %dma_start3A_106 = tpu.memref_squeeze %dma_start3A_105 : memref<1x128x128xf32, #tpu.memory_space<hbm>> -> memref<128x128xf32, #tpu.memory_space<hbm>>
      %dma_start3A_107 = arith.constant 0 : i32
      %dma_start3A_108 = arith.constant 0 : i32
      %dma_start3A_109 = tpu.memref_slice %arg6[%dma_start3A_93, %dma_start3A_107, %dma_start3A_108] : memref<2x128x128xf32, #tpu.memory_space<vmem>> -> memref<1x128x128xf32, #tpu.memory_space<vmem>>
      %dma_start3A_110 = tpu.memref_squeeze %dma_start3A_109 : memref<1x128x128xf32, #tpu.memory_space<vmem>> -> memref<128x128xf32, #tpu.memory_space<vmem>>
      tpu.enqueue_dma source(%dma_start3A_110 : memref<128x128xf32, #tpu.memory_space<vmem>>) target(%dma_start3A_106 : memref<128x128xf32, #tpu.memory_space<hbm>>) target_semaphore(%dma_start3A_103 : memref<!tpu.dma_semaphore, #tpu.memory_space<semaphore_mem>>)
      %add3A_111 = arith.constant 2 : i32
      %add3A_112 = arith.addi %add3A_78, %add3A_111 : i32
      %sub3A = arith.constant 1 : i32
      %sub3A_113 = arith.subi %add3A_112, %sub3A : i32
      %ge3A = arith.constant 2 : i32
      %ge3A_114 = arith.cmpi sge, %sub3A_113, %ge3A : i32
      %lt3A = arith.constant 50 : i32
      %lt3A_115 = arith.cmpi slt, %sub3A_113, %lt3A : i32
      %and3A = arith.andi %ge3A_114, %lt3A_115 : i1
      %convert_element_type3A = arith.extui %and3A : i1 to i32
      %cond3A = arith.constant 0 : i32
      %cond3A_116 = arith.cmpi ne, %convert_element_type3A, %cond3A : i32
      scf.if %cond3A_116 {
        %sub3A_165 = arith.constant 2 : i32
        %sub3A_166 = arith.subi %sub3A_113, %sub3A_165 : i32
        %dma_wait3A_167 = arith.constant 1 : i32
        %dma_wait3A_168 = arith.constant 1 : i32
        %dma_wait3A_169 = arith.constant 0 : i32
        %dma_wait3A_170 = arith.constant 0 : i32
        %dma_wait3A_171 = tpu.memref_slice %arg6[%dma_wait3A_167, %dma_wait3A_169, %dma_wait3A_170] : memref<2x128x128xf32, #tpu.memory_space<vmem>> -> memref<1x128x128xf32, #tpu.memory_space<vmem>>
        %dma_wait3A_172 = tpu.memref_squeeze %dma_wait3A_171 : memref<1x128x128xf32, #tpu.memory_space<vmem>> -> memref<128x128xf32, #tpu.memory_space<vmem>>
        %dma_wait3A_173 = arith.constant 0 : i32
        %dma_wait3A_174 = tpu.memref_slice %arg4[%sub3A_166, %mul3A_2, %dma_wait3A_173] : memref<50x4096x128xf32, #tpu.memory_space<hbm>> -> memref<1x128x128xf32, #tpu.memory_space<hbm>>
        %dma_wait3A_175 = tpu.memref_squeeze %dma_wait3A_174 : memref<1x128x128xf32, #tpu.memory_space<hbm>> -> memref<128x128xf32, #tpu.memory_space<hbm>>
        %dma_wait3A_176 = tpu.memref_slice %arg8[%dma_wait3A_168] : memref<2x!tpu.dma_semaphore, #tpu.memory_space<semaphore_mem>> -> memref<1x!tpu.dma_semaphore, #tpu.memory_space<semaphore_mem>>
        %dma_wait3A_177 = tpu.memref_squeeze %dma_wait3A_176 : memref<1x!tpu.dma_semaphore, #tpu.memory_space<semaphore_mem>> -> memref<!tpu.dma_semaphore, #tpu.memory_space<semaphore_mem>>
        %dma_wait3A_178 = arith.constant 0 : i32
        %dma_wait3A_179 = tpu.memref_slice %arg4[%sub3A_166, %mul3A_2, %dma_wait3A_178] : memref<50x4096x128xf32, #tpu.memory_space<hbm>> -> memref<1x128x128xf32, #tpu.memory_space<hbm>>
        %dma_wait3A_180 = tpu.memref_squeeze %dma_wait3A_179 : memref<1x128x128xf32, #tpu.memory_space<hbm>> -> memref<128x128xf32, #tpu.memory_space<hbm>>
        %dma_wait3A_181 = arith.constant 0 : i32
        %dma_wait3A_182 = arith.constant 0 : i32
        %dma_wait3A_183 = tpu.memref_slice %arg6[%dma_wait3A_167, %dma_wait3A_181, %dma_wait3A_182] : memref<2x128x128xf32, #tpu.memory_space<vmem>> -> memref<1x128x128xf32, #tpu.memory_space<vmem>>
        %dma_wait3A_184 = tpu.memref_squeeze %dma_wait3A_183 : memref<1x128x128xf32, #tpu.memory_space<vmem>> -> memref<128x128xf32, #tpu.memory_space<vmem>>
        tpu.wait_dma2 semaphore(%dma_wait3A_177 : memref<!tpu.dma_semaphore, #tpu.memory_space<semaphore_mem>>) src(%dma_wait3A_184 : memref<128x128xf32, #tpu.memory_space<vmem>>) dst(%dma_wait3A_180 : memref<128x128xf32, #tpu.memory_space<hbm>>)
        %dma_start3A_185 = arith.constant 1 : i32
        %dma_start3A_186 = arith.constant 1 : i32
        %dma_start3A_187 = arith.constant 0 : i32
        %dma_start3A_188 = arith.constant 0 : i32
        %dma_start3A_189 = tpu.memref_slice %arg6[%dma_start3A_185, %dma_start3A_187, %dma_start3A_188] : memref<2x128x128xf32, #tpu.memory_space<vmem>> -> memref<1x128x128xf32, #tpu.memory_space<vmem>>
        %dma_start3A_190 = tpu.memref_squeeze %dma_start3A_189 : memref<1x128x128xf32, #tpu.memory_space<vmem>> -> memref<128x128xf32, #tpu.memory_space<vmem>>
        %dma_start3A_191 = arith.constant 0 : i32
        %dma_start3A_192 = tpu.memref_slice %arg5[%sub3A_113, %dma_start3A_191] : memref<50x128xi32, #tpu.memory_space<vmem>> -> memref<1x128xi32, #tpu.memory_space<vmem>>
        %dma_start3A_193 = tpu.memref_squeeze %dma_start3A_192 : memref<1x128xi32, #tpu.memory_space<vmem>> -> memref<128xi32, #tpu.memory_space<vmem>>
        %dma_start3A_194 = arith.constant 0 : i32
        %dma_start3A_195 = arith.constant 0 : i32
        %dma_start3A_196 = tpu.memref_slice %arg2[%dma_start3A_194, %dma_start3A_195] : memref<100000x128xf32, #tpu.memory_space<hbm>> -> memref<100000x128xf32, #tpu.memory_space<hbm>>
        %dma_start3A_197 = tpu.memref_slice %arg7[%dma_start3A_186] : memref<2x!tpu.dma_semaphore, #tpu.memory_space<semaphore_mem>> -> memref<1x!tpu.dma_semaphore, #tpu.memory_space<semaphore_mem>>
        %dma_start3A_198 = tpu.memref_squeeze %dma_start3A_197 : memref<1x!tpu.dma_semaphore, #tpu.memory_space<semaphore_mem>> -> memref<!tpu.dma_semaphore, #tpu.memory_space<semaphore_mem>>
        tpu.enqueue_indirect_dma source(%dma_start3A_196 : memref<100000x128xf32, #tpu.memory_space<hbm>>) target(%dma_start3A_190 : memref<128x128xf32, #tpu.memory_space<vmem>>) offsets(%dma_start3A_193 : memref<128xi32, #tpu.memory_space<vmem>>) semaphore(%dma_start3A_198 : memref<!tpu.dma_semaphore, #tpu.memory_space<semaphore_mem>>)
      } else {
      }
      %mul3A_117 = arith.constant 2 : i32
      %mul3A_118 = arith.muli %scan3A_74, %mul3A_117 : i32
      %add3A_119 = arith.constant 1 : i32
      %add3A_120 = arith.addi %mul3A_118, %add3A_119 : i32
      %dma_wait3A_121 = arith.constant 1 : i32
      %dma_wait3A_122 = arith.constant 1 : i32
      %dma_wait3A_123 = arith.constant 0 : i32
      %dma_wait3A_124 = arith.constant 0 : i32
      %dma_wait3A_125 = tpu.memref_slice %arg6[%dma_wait3A_121, %dma_wait3A_123, %dma_wait3A_124] : memref<2x128x128xf32, #tpu.memory_space<vmem>> -> memref<1x128x128xf32, #tpu.memory_space<vmem>>
      %dma_wait3A_126 = tpu.memref_squeeze %dma_wait3A_125 : memref<1x128x128xf32, #tpu.memory_space<vmem>> -> memref<128x128xf32, #tpu.memory_space<vmem>>
      %dma_wait3A_127 = arith.constant 0 : i32
      %dma_wait3A_128 = tpu.memref_slice %arg5[%add3A_120, %dma_wait3A_127] : memref<50x128xi32, #tpu.memory_space<vmem>> -> memref<1x128xi32, #tpu.memory_space<vmem>>
      %dma_wait3A_129 = tpu.memref_squeeze %dma_wait3A_128 : memref<1x128xi32, #tpu.memory_space<vmem>> -> memref<128xi32, #tpu.memory_space<vmem>>
      %dma_wait3A_130 = arith.constant 0 : i32
      %dma_wait3A_131 = arith.constant 0 : i32
      %dma_wait3A_132 = tpu.memref_slice %arg2[%dma_wait3A_130, %dma_wait3A_131] : memref<100000x128xf32, #tpu.memory_space<hbm>> -> memref<100000x128xf32, #tpu.memory_space<hbm>>
      %dma_wait3A_133 = tpu.memref_slice %arg7[%dma_wait3A_122] : memref<2x!tpu.dma_semaphore, #tpu.memory_space<semaphore_mem>> -> memref<1x!tpu.dma_semaphore, #tpu.memory_space<semaphore_mem>>
      %dma_wait3A_134 = tpu.memref_squeeze %dma_wait3A_133 : memref<1x!tpu.dma_semaphore, #tpu.memory_space<semaphore_mem>> -> memref<!tpu.dma_semaphore, #tpu.memory_space<semaphore_mem>>
      tpu.wait_indirect_dma semaphore(%dma_wait3A_134 : memref<!tpu.dma_semaphore, #tpu.memory_space<semaphore_mem>>) src(%dma_wait3A_132 : memref<100000x128xf32, #tpu.memory_space<hbm>>) dst(%dma_wait3A_126 : memref<128x128xf32, #tpu.memory_space<vmem>>)
      %dma_start3A_135 = arith.constant 1 : i32
      %dma_start3A_136 = arith.constant 1 : i32
      %dma_start3A_137 = arith.constant 0 : i32
      %dma_start3A_138 = arith.constant 0 : i32
      %dma_start3A_139 = tpu.memref_slice %arg6[%dma_start3A_135, %dma_start3A_137, %dma_start3A_138] : memref<2x128x128xf32, #tpu.memory_space<vmem>> -> memref<1x128x128xf32, #tpu.memory_space<vmem>>
      %dma_start3A_140 = tpu.memref_squeeze %dma_start3A_139 : memref<1x128x128xf32, #tpu.memory_space<vmem>> -> memref<128x128xf32, #tpu.memory_space<vmem>>
      %dma_start3A_141 = arith.constant 0 : i32
      %dma_start3A_142 = tpu.memref_slice %arg4[%add3A_120, %mul3A_2, %dma_start3A_141] : memref<50x4096x128xf32, #tpu.memory_space<hbm>> -> memref<1x128x128xf32, #tpu.memory_space<hbm>>
      %dma_start3A_143 = tpu.memref_squeeze %dma_start3A_142 : memref<1x128x128xf32, #tpu.memory_space<hbm>> -> memref<128x128xf32, #tpu.memory_space<hbm>>
      %dma_start3A_144 = tpu.memref_slice %arg8[%dma_start3A_136] : memref<2x!tpu.dma_semaphore, #tpu.memory_space<semaphore_mem>> -> memref<1x!tpu.dma_semaphore, #tpu.memory_space<semaphore_mem>>
      %dma_start3A_145 = tpu.memref_squeeze %dma_start3A_144 : memref<1x!tpu.dma_semaphore, #tpu.memory_space<semaphore_mem>> -> memref<!tpu.dma_semaphore, #tpu.memory_space<semaphore_mem>>
      %dma_start3A_146 = arith.constant 0 : i32
      %dma_start3A_147 = tpu.memref_slice %arg4[%add3A_120, %mul3A_2, %dma_start3A_146] : memref<50x4096x128xf32, #tpu.memory_space<hbm>> -> memref<1x128x128xf32, #tpu.memory_space<hbm>>
      %dma_start3A_148 = tpu.memref_squeeze %dma_start3A_147 : memref<1x128x128xf32, #tpu.memory_space<hbm>> -> memref<128x128xf32, #tpu.memory_space<hbm>>
      %dma_start3A_149 = arith.constant 0 : i32
      %dma_start3A_150 = arith.constant 0 : i32
      %dma_start3A_151 = tpu.memref_slice %arg6[%dma_start3A_135, %dma_start3A_149, %dma_start3A_150] : memref<2x128x128xf32, #tpu.memory_space<vmem>> -> memref<1x128x128xf32, #tpu.memory_space<vmem>>
      %dma_start3A_152 = tpu.memref_squeeze %dma_start3A_151 : memref<1x128x128xf32, #tpu.memory_space<vmem>> -> memref<128x128xf32, #tpu.memory_space<vmem>>
      tpu.enqueue_dma source(%dma_start3A_152 : memref<128x128xf32, #tpu.memory_space<vmem>>) target(%dma_start3A_148 : memref<128x128xf32, #tpu.memory_space<hbm>>) target_semaphore(%dma_start3A_145 : memref<!tpu.dma_semaphore, #tpu.memory_space<semaphore_mem>>)
      %add3A_153 = arith.constant 2 : i32
      %add3A_154 = arith.addi %add3A_120, %add3A_153 : i32
      %sub3A_155 = arith.constant 1 : i32
      %sub3A_156 = arith.subi %add3A_154, %sub3A_155 : i32
      %ge3A_157 = arith.constant 2 : i32
      %ge3A_158 = arith.cmpi sge, %sub3A_156, %ge3A_157 : i32
      %lt3A_159 = arith.constant 50 : i32
      %lt3A_160 = arith.cmpi slt, %sub3A_156, %lt3A_159 : i32
      %and3A_161 = arith.andi %ge3A_158, %lt3A_160 : i1
      %convert_element_type3A_162 = arith.extui %and3A_161 : i1 to i32
      %cond3A_163 = arith.constant 0 : i32
      %cond3A_164 = arith.cmpi ne, %convert_element_type3A_162, %cond3A_163 : i32
      scf.if %cond3A_164 {
        %sub3A_165 = arith.constant 2 : i32
        %sub3A_166 = arith.subi %sub3A_156, %sub3A_165 : i32
        %dma_wait3A_167 = arith.constant 0 : i32
        %dma_wait3A_168 = arith.constant 0 : i32
        %dma_wait3A_169 = arith.constant 0 : i32
        %dma_wait3A_170 = arith.constant 0 : i32
        %dma_wait3A_171 = tpu.memref_slice %arg6[%dma_wait3A_167, %dma_wait3A_169, %dma_wait3A_170] : memref<2x128x128xf32, #tpu.memory_space<vmem>> -> memref<1x128x128xf32, #tpu.memory_space<vmem>>
        %dma_wait3A_172 = tpu.memref_squeeze %dma_wait3A_171 : memref<1x128x128xf32, #tpu.memory_space<vmem>> -> memref<128x128xf32, #tpu.memory_space<vmem>>
        %dma_wait3A_173 = arith.constant 0 : i32
        %dma_wait3A_174 = tpu.memref_slice %arg4[%sub3A_166, %mul3A_2, %dma_wait3A_173] : memref<50x4096x128xf32, #tpu.memory_space<hbm>> -> memref<1x128x128xf32, #tpu.memory_space<hbm>>
        %dma_wait3A_175 = tpu.memref_squeeze %dma_wait3A_174 : memref<1x128x128xf32, #tpu.memory_space<hbm>> -> memref<128x128xf32, #tpu.memory_space<hbm>>
        %dma_wait3A_176 = tpu.memref_slice %arg8[%dma_wait3A_168] : memref<2x!tpu.dma_semaphore, #tpu.memory_space<semaphore_mem>> -> memref<1x!tpu.dma_semaphore, #tpu.memory_space<semaphore_mem>>
        %dma_wait3A_177 = tpu.memref_squeeze %dma_wait3A_176 : memref<1x!tpu.dma_semaphore, #tpu.memory_space<semaphore_mem>> -> memref<!tpu.dma_semaphore, #tpu.memory_space<semaphore_mem>>
        %dma_wait3A_178 = arith.constant 0 : i32
        %dma_wait3A_179 = tpu.memref_slice %arg4[%sub3A_166, %mul3A_2, %dma_wait3A_178] : memref<50x4096x128xf32, #tpu.memory_space<hbm>> -> memref<1x128x128xf32, #tpu.memory_space<hbm>>
        %dma_wait3A_180 = tpu.memref_squeeze %dma_wait3A_179 : memref<1x128x128xf32, #tpu.memory_space<hbm>> -> memref<128x128xf32, #tpu.memory_space<hbm>>
        %dma_wait3A_181 = arith.constant 0 : i32
        %dma_wait3A_182 = arith.constant 0 : i32
        %dma_wait3A_183 = tpu.memref_slice %arg6[%dma_wait3A_167, %dma_wait3A_181, %dma_wait3A_182] : memref<2x128x128xf32, #tpu.memory_space<vmem>> -> memref<1x128x128xf32, #tpu.memory_space<vmem>>
        %dma_wait3A_184 = tpu.memref_squeeze %dma_wait3A_183 : memref<1x128x128xf32, #tpu.memory_space<vmem>> -> memref<128x128xf32, #tpu.memory_space<vmem>>
        tpu.wait_dma2 semaphore(%dma_wait3A_177 : memref<!tpu.dma_semaphore, #tpu.memory_space<semaphore_mem>>) src(%dma_wait3A_184 : memref<128x128xf32, #tpu.memory_space<vmem>>) dst(%dma_wait3A_180 : memref<128x128xf32, #tpu.memory_space<hbm>>)
        %dma_start3A_185 = arith.constant 0 : i32
        %dma_start3A_186 = arith.constant 0 : i32
        %dma_start3A_187 = arith.constant 0 : i32
        %dma_start3A_188 = arith.constant 0 : i32
        %dma_start3A_189 = tpu.memref_slice %arg6[%dma_start3A_185, %dma_start3A_187, %dma_start3A_188] : memref<2x128x128xf32, #tpu.memory_space<vmem>> -> memref<1x128x128xf32, #tpu.memory_space<vmem>>
        %dma_start3A_190 = tpu.memref_squeeze %dma_start3A_189 : memref<1x128x128xf32, #tpu.memory_space<vmem>> -> memref<128x128xf32, #tpu.memory_space<vmem>>
        %dma_start3A_191 = arith.constant 0 : i32
        %dma_start3A_192 = tpu.memref_slice %arg5[%sub3A_156, %dma_start3A_191] : memref<50x128xi32, #tpu.memory_space<vmem>> -> memref<1x128xi32, #tpu.memory_space<vmem>>
        %dma_start3A_193 = tpu.memref_squeeze %dma_start3A_192 : memref<1x128xi32, #tpu.memory_space<vmem>> -> memref<128xi32, #tpu.memory_space<vmem>>
        %dma_start3A_194 = arith.constant 0 : i32
        %dma_start3A_195 = arith.constant 0 : i32
        %dma_start3A_196 = tpu.memref_slice %arg2[%dma_start3A_194, %dma_start3A_195] : memref<100000x128xf32, #tpu.memory_space<hbm>> -> memref<100000x128xf32, #tpu.memory_space<hbm>>
        %dma_start3A_197 = tpu.memref_slice %arg7[%dma_start3A_186] : memref<2x!tpu.dma_semaphore, #tpu.memory_space<semaphore_mem>> -> memref<1x!tpu.dma_semaphore, #tpu.memory_space<semaphore_mem>>
        %dma_start3A_198 = tpu.memref_squeeze %dma_start3A_197 : memref<1x!tpu.dma_semaphore, #tpu.memory_space<semaphore_mem>> -> memref<!tpu.dma_semaphore, #tpu.memory_space<semaphore_mem>>
        tpu.enqueue_indirect_dma source(%dma_start3A_196 : memref<100000x128xf32, #tpu.memory_space<hbm>>) target(%dma_start3A_190 : memref<128x128xf32, #tpu.memory_space<vmem>>) offsets(%dma_start3A_193 : memref<128xi32, #tpu.memory_space<vmem>>) semaphore(%dma_start3A_198 : memref<!tpu.dma_semaphore, #tpu.memory_space<semaphore_mem>>)
      } else {
      }
    }
    %scan3A_36 = arith.constant 25 : i32
    %dma_wait3A = arith.constant 0 : i32
    %dma_wait3A_37 = arith.constant 48 : i32
    %dma_wait3A_38 = arith.constant 0 : i32
    %dma_wait3A_39 = arith.constant 0 : i32
    %dma_wait3A_40 = arith.constant 0 : i32
    %dma_wait3A_41 = tpu.memref_slice %arg6[%dma_wait3A, %dma_wait3A_39, %dma_wait3A_40] : memref<2x128x128xf32, #tpu.memory_space<vmem>> -> memref<1x128x128xf32, #tpu.memory_space<vmem>>
    %dma_wait3A_42 = tpu.memref_squeeze %dma_wait3A_41 : memref<1x128x128xf32, #tpu.memory_space<vmem>> -> memref<128x128xf32, #tpu.memory_space<vmem>>
    %dma_wait3A_43 = arith.constant 0 : i32
    %dma_wait3A_44 = tpu.memref_slice %arg4[%dma_wait3A_37, %mul3A_2, %dma_wait3A_43] : memref<50x4096x128xf32, #tpu.memory_space<hbm>> -> memref<1x128x128xf32, #tpu.memory_space<hbm>>
    %dma_wait3A_45 = tpu.memref_squeeze %dma_wait3A_44 : memref<1x128x128xf32, #tpu.memory_space<hbm>> -> memref<128x128xf32, #tpu.memory_space<hbm>>
    %dma_wait3A_46 = tpu.memref_slice %arg8[%dma_wait3A_38] : memref<2x!tpu.dma_semaphore, #tpu.memory_space<semaphore_mem>> -> memref<1x!tpu.dma_semaphore, #tpu.memory_space<semaphore_mem>>
    %dma_wait3A_47 = tpu.memref_squeeze %dma_wait3A_46 : memref<1x!tpu.dma_semaphore, #tpu.memory_space<semaphore_mem>> -> memref<!tpu.dma_semaphore, #tpu.memory_space<semaphore_mem>>
    %dma_wait3A_48 = arith.constant 0 : i32
    %dma_wait3A_49 = tpu.memref_slice %arg4[%dma_wait3A_37, %mul3A_2, %dma_wait3A_48] : memref<50x4096x128xf32, #tpu.memory_space<hbm>> -> memref<1x128x128xf32, #tpu.memory_space<hbm>>
    %dma_wait3A_50 = tpu.memref_squeeze %dma_wait3A_49 : memref<1x128x128xf32, #tpu.memory_space<hbm>> -> memref<128x128xf32, #tpu.memory_space<hbm>>
    %dma_wait3A_51 = arith.constant 0 : i32
    %dma_wait3A_52 = arith.constant 0 : i32
    %dma_wait3A_53 = tpu.memref_slice %arg6[%dma_wait3A, %dma_wait3A_51, %dma_wait3A_52] : memref<2x128x128xf32, #tpu.memory_space<vmem>> -> memref<1x128x128xf32, #tpu.memory_space<vmem>>
    %dma_wait3A_54 = tpu.memref_squeeze %dma_wait3A_53 : memref<1x128x128xf32, #tpu.memory_space<vmem>> -> memref<128x128xf32, #tpu.memory_space<vmem>>
    tpu.wait_dma2 semaphore(%dma_wait3A_47 : memref<!tpu.dma_semaphore, #tpu.memory_space<semaphore_mem>>) src(%dma_wait3A_54 : memref<128x128xf32, #tpu.memory_space<vmem>>) dst(%dma_wait3A_50 : memref<128x128xf32, #tpu.memory_space<hbm>>)
    %dma_wait3A_55 = arith.constant 1 : i32
    %dma_wait3A_56 = arith.constant 49 : i32
    %dma_wait3A_57 = arith.constant 1 : i32
    %dma_wait3A_58 = arith.constant 0 : i32
    %dma_wait3A_59 = arith.constant 0 : i32
    %dma_wait3A_60 = tpu.memref_slice %arg6[%dma_wait3A_55, %dma_wait3A_58, %dma_wait3A_59] : memref<2x128x128xf32, #tpu.memory_space<vmem>> -> memref<1x128x128xf32, #tpu.memory_space<vmem>>
    %dma_wait3A_61 = tpu.memref_squeeze %dma_wait3A_60 : memref<1x128x128xf32, #tpu.memory_space<vmem>> -> memref<128x128xf32, #tpu.memory_space<vmem>>
    %dma_wait3A_62 = arith.constant 0 : i32
    %dma_wait3A_63 = tpu.memref_slice %arg4[%dma_wait3A_56, %mul3A_2, %dma_wait3A_62] : memref<50x4096x128xf32, #tpu.memory_space<hbm>> -> memref<1x128x128xf32, #tpu.memory_space<hbm>>
    %dma_wait3A_64 = tpu.memref_squeeze %dma_wait3A_63 : memref<1x128x128xf32, #tpu.memory_space<hbm>> -> memref<128x128xf32, #tpu.memory_space<hbm>>
    %dma_wait3A_65 = tpu.memref_slice %arg8[%dma_wait3A_57] : memref<2x!tpu.dma_semaphore, #tpu.memory_space<semaphore_mem>> -> memref<1x!tpu.dma_semaphore, #tpu.memory_space<semaphore_mem>>
    %dma_wait3A_66 = tpu.memref_squeeze %dma_wait3A_65 : memref<1x!tpu.dma_semaphore, #tpu.memory_space<semaphore_mem>> -> memref<!tpu.dma_semaphore, #tpu.memory_space<semaphore_mem>>
    %dma_wait3A_67 = arith.constant 0 : i32
    %dma_wait3A_68 = tpu.memref_slice %arg4[%dma_wait3A_56, %mul3A_2, %dma_wait3A_67] : memref<50x4096x128xf32, #tpu.memory_space<hbm>> -> memref<1x128x128xf32, #tpu.memory_space<hbm>>
    %dma_wait3A_69 = tpu.memref_squeeze %dma_wait3A_68 : memref<1x128x128xf32, #tpu.memory_space<hbm>> -> memref<128x128xf32, #tpu.memory_space<hbm>>
    %dma_wait3A_70 = arith.constant 0 : i32
    %dma_wait3A_71 = arith.constant 0 : i32
    %dma_wait3A_72 = tpu.memref_slice %arg6[%dma_wait3A_55, %dma_wait3A_70, %dma_wait3A_71] : memref<2x128x128xf32, #tpu.memory_space<vmem>> -> memref<1x128x128xf32, #tpu.memory_space<vmem>>
    %dma_wait3A_73 = tpu.memref_squeeze %dma_wait3A_72 : memref<1x128x128xf32, #tpu.memory_space<vmem>> -> memref<128x128xf32, #tpu.memory_space<vmem>>
    tpu.wait_dma2 semaphore(%dma_wait3A_66 : memref<!tpu.dma_semaphore, #tpu.memory_space<semaphore_mem>>) src(%dma_wait3A_73 : memref<128x128xf32, #tpu.memory_space<vmem>>) dst(%dma_wait3A_69 : memref<128x128xf32, #tpu.memory_space<hbm>>)
    return
  }
}

</mosaic_0001>

<sc_bundles>
// kernel: _sc_gather.3.cloned.1.call-start
scs
__scs_entry_jumppad:
0x0: {  	(pc) =	sbr.rel $0x88, $3  }
0x1: {  	(tag) =	ssettag $0x0;
	lr =	simm.s32 $0x1  }
0x2: {  	[smem:$0x3F9F] =	sst lr;
	_ =	strace $0xD0000000  }
0x3: {  	_ = 	snop  }
0x4: {  	_ = 	snop  }
0x5: {  	_ = 	snop  }
0x6: {  	_ = 	snop  }
0x7: {  	_ = 	snop  }
__scs_overlays_trampoline_lowered:
0x8: {  	[smem:$0x3FAE] =	sst s0  }
0x9: {  	[smem:$0x3FAF] =	sst s1  }
0xa: {  	[smem:$0x3FB0] =	sst s2  }
0xb: {  	[smem:$0x3FB1] =	sst s3  }
0xc: {  	[smem:$0x3FB2] =	sst s4  }
0xd: {  	[smem:$0x3FB3] =	sst s5  }
0xe: {  	[smem:$0x3FB4] =	sst s6  }
0xf: {  	[smem:$0x3FB5] =	sst s7  }
0x10: {  	[smem:$0x3FB6] =	sst s8  }
0x11: {  	[smem:$0x3FB7] =	sst s9;
	s0 =	simm.s32 @!p0 $0x0  }
0x12: {  	s1 =	sld [smem:$0x3F9D];
	s0 =	simm.s32 @p0 $0x1  }
0x13: {  	[smem:$0x3FB8] =	sst s0;
	s0 =	simm.s32 @!p1 $0x0  }
0x14: {  	s2 =	sld [smem:$0x3F9C];
	s0 =	simm.s32 @p1 $0x1  }
0x15: {  	[smem:$0x3FB9] =	sst s0;
	s0 =	simm.s32 @!p2 $0x0  }
0x16: {  	s3 =	sld [smem:$0x3FDB];
	s0 =	simm.s32 @p2 $0x1  }
0x17: {  	s4 =	simm.s32 $0x1BF5;
	[smem:$0x3FBB] =	sst s0  }
0x18: {  	s0 =	sld [smem:$0x3F9E];
	_ =	swait.ge [sflag:s4], $0x0  }
0x19: {  	s7 =	sld [smem:$0x3F9F]  }
0x1a: {  	s8 =	sadd.s32 $0xFFFFE003, lr  }
0x1b: {  	s9 =	sadd.s32 $0xFFFFFEF7, lr;
	s5 =	simm.s32 $0xFFFFFFFF;
	p2 =	slt.u32 s8, $0xFFFFF086  }
0x1c: {  	p1 =	slt.u32 s9, $0xF7A;
	s5 =	simm.s32 @!p2 $0x0  }
0x1d: {  	s5 =	simm.s32 @p1 $0x1;
	p0 =	seq.s32 s7, s2  }
0x1e: {  	s7 =	smul.u32 @!p0 $0xF7A, s2;
	p2 =	seq.s32 @!p0 s5, $0x0  }
0x1f: {  	s9 =	smul.u32 $0xF7A, s1;
	s8 =	simm.s32 @!p0 $0x1BF5;
	p2 =	por !p2, p0  }
0x20: {  	[sflag:s8] =	ssyncset.s32 @!p0 $0xFFFFF086;
	s6 =	sadd.s32 @!p0 s3, s7;
	s7 =	simm.s32 @!p0 $0x108  }
0x21: {  	s3 =	sadd.s32 s3, s9;
	s6 =	sadd.s32 @!p0 $0x88, s6;
	s7 =	simm.s32 @p2 $0x1082  }
0x22: {  	[simem:s7], [sflag:s8] =	dma.local @!p0 [hbm:s6], $0xF7A  }
0x23: {  	s9 =	sor.u32 $0xD0000000, s2;
	s6 =	simm.s32 $0x108;
	_ =	swait.ge @!p0 [sflag:s8], $0x0  }
0x24: {  	s3 =	sadd.s32 $0x88, s3;
	s6 =	simm.s32 @!p1 $0x1082;
	[sflag:s4] =	ssyncset.s32 $0xFFFFF086  }
0x25: {  	[simem:s6], [sflag:s4] =	dma.local [hbm:s3], $0xF7A  }
0x26: {  	[smem:$0x3F9F] =	sst s1;
	(tag) =	ssettag s2;
	_ =	strace s9  }
0x27: {  	s1 =	sld [smem:$0x3FAF]  }
0x28: {  	s2 =	sld [smem:$0x3FB0]  }
0x29: {  	s4 =	sld [smem:$0x3FB2]  }
0x2a: {  	p0 =	seq.s32 s5, $0x0;
	s5 =	sld [smem:$0x3FB3]  }
0x2b: {  	s6 =	sld [smem:$0x3FB4]  }
0x2c: {  	s7 =	sld [smem:$0x3FB5]  }
0x2d: {  	s3 =	simm.s32 $0x108;
	s8 =	sld [smem:$0x3FB6]  }
0x2e: {  	s3 =	simm.s32 @!p0 $0x1082;
	s9 =	sld [smem:$0x3FB7]  }
0x2f: {  	lr =	sadd.s32 s0, s3;
	s0 =	sld [smem:$0x3FAE]  }
0x30: {  	s3 =	sld [smem:$0x3FB1]  }
0x31: {  	[smem:$0x3FBA] =	sst s10  }
0x32: {  	s10 =	sld [smem:$0x3FB8];
	_ =	sdelay $0x3  }
0x33: {  	p0 =	seq.s32 s10, $0x1;
	s10 =	sld [smem:$0x3FBA];
	_ =	sdelay $0x3  }
0x34: {  	[smem:$0x3FBA] =	sst s10  }
0x35: {  	s10 =	sld [smem:$0x3FB9];
	_ =	sdelay $0x3  }
0x36: {  	p1 =	seq.s32 s10, $0x1;
	s10 =	sld [smem:$0x3FBA];
	_ =	sdelay $0x3  }
0x37: {  	[smem:$0x3FBA] =	sst s10  }
0x38: {  	s10 =	sld [smem:$0x3FBB]  }
0x39: {  	_ = 	snop;
	(pc) =	sbr.ind lr, $3  }
0x3a: {  	_ = 	snop  }
0x3b: {  	_ = 	snop  }
0x3c: {  	p2 =	seq.s32 s10, $0x1;
	s10 =	sld [smem:$0x3FBA]  }
0x3d: {  	_ =	shalt  }
0x3e: {  	_ =	shalt  }
0x3f: {  	_ =	shalt  }
0x40: {  	_ =	shalt  }
0x41: {  	_ =	shalt  }
0x42: {  	_ =	shalt  }
0x43: {  	_ =	shalt  }
0x44: {  	_ =	shalt  }
0x45: {  	_ =	shalt  }
0x46: {  	_ =	shalt  }
0x47: {  	_ =	shalt  }
0x48: {  	_ =	shalt  }
0x49: {  	_ =	shalt  }
0x4a: {  	_ =	shalt  }
0x4b: {  	_ =	shalt  }
0x4c: {  	_ =	shalt  }
0x4d: {  	_ =	shalt  }
0x4e: {  	_ =	shalt  }
0x4f: {  	_ =	shalt  }
0x50: {  	_ =	shalt  }
0x51: {  	_ =	shalt  }
0x52: {  	_ =	shalt  }
0x53: {  	_ =	shalt  }
0x54: {  	_ =	shalt  }
0x55: {  	_ =	shalt  }
0x56: {  	_ =	shalt  }
0x57: {  	_ =	shalt  }
0x58: {  	_ =	shalt  }
0x59: {  	_ =	shalt  }
0x5a: {  	_ =	shalt  }
0x5b: {  	_ =	shalt  }
0x5c: {  	_ =	shalt  }
0x5d: {  	_ =	shalt  }
0x5e: {  	_ =	shalt  }
0x5f: {  	_ =	shalt  }
0x60: {  	_ =	shalt  }
0x61: {  	_ =	shalt  }
0x62: {  	_ =	shalt  }
0x63: {  	_ =	shalt  }
0x64: {  	_ =	shalt  }
0x65: {  	_ =	shalt  }
0x66: {  	_ =	shalt  }
0x67: {  	_ =	shalt  }
0x68: {  	_ =	shalt  }
0x69: {  	_ =	shalt  }
0x6a: {  	_ =	shalt  }
0x6b: {  	_ =	shalt  }
0x6c: {  	_ =	shalt  }
0x6d: {  	_ =	shalt  }
0x6e: {  	_ =	shalt  }
0x6f: {  	_ =	shalt  }
0x70: {  	_ =	shalt  }
0x71: {  	_ =	shalt  }
0x72: {  	_ =	shalt  }
0x73: {  	_ =	shalt  }
0x74: {  	_ =	shalt  }
0x75: {  	_ =	shalt  }
0x76: {  	_ =	shalt  }
0x77: {  	_ =	shalt  }
0x78: {  	_ =	shalt  }
0x79: {  	_ =	shalt  }
0x7a: {  	_ =	shalt  }
0x7b: {  	_ =	shalt  }
0x7c: {  	_ =	shalt  }
0x7d: {  	_ =	shalt  }
0x7e: {  	_ =	shalt  }
0x7f: {  	_ =	shalt  }
0x80: {  	_ =	shalt  }
0x81: {  	_ =	shalt  }
0x82: {  	_ =	shalt  }
0x83: {  	_ =	shalt  }
0x84: {  	_ =	shalt  }
0x85: {  	_ =	shalt  }
0x86: {  	_ =	shalt  }
0x87: {  	_ =	shalt  }
.Lfunc_end0:
.L_simem_size_0:
called_computation_lowered:
.L_overlay_start_0:
0x88: {  	s2 =	sld [smem:$0x3FD9]  }
0x89: {  	s3 =	sld [smem:$0x3FFE];
	_ =	sdelay $0x1  }
0x8a: {  	s1 =	srdreg.scid  }
0x8b: {  	s0 =	sand.u32 $0x1, s1  }
0x8c: {  	s18 =	sshll.u32 s0, $0xA;
	s2 =	sadd.s32 s3, s2  }
0x8d: {  	s2 =	sadd.s32 s2, s18  }
0x8e: {  	[smem:$0x3FC6] =	sst s2  }
0x8f: {  	_ = 	snop  }
0x90: {  	s2 =	sld [smem:$0x3FC9]  }
0x91: {  	s19 =	sld [smem:$0x3FC8]  }
0x92: {  	s4 =	sld [smem:$0x3FD0];
	(tm) =	ssettm $0x1  }
0x93: {  	s5 =	sld [smem:$0x3FFB];
	_ =	sdelay $0x3  }
0x94: {  	_ =	strace s5  }
0x95: {  	s5 =	sld [smem:$0x3FFC];
	_ =	sdelay $0x3  }
0x96: {  	_ =	strace s5  }
0x97: {  	s5 =	sld [smem:$0x3FFD];
	_ =	sdelay $0x3  }
0x98: {  	_ =	strace s5  }
0x99: {  	_ =	strace $0x8FFFFFFF  }
0x9a: {  	s20 =	sld [smem:$0x3FDB];
	_ =	sdelay $0x1  }
0x9b: {  	s6 =	simm.s32 $_scs_section_size  }
0x9c: {  	s7 =	simm.s32 $_size__tile_overlayer_lowered;
	s8 =	simm.s32 $_tile_overlayer_lowered  }
0x9d: {  	s23 =	simm.s32 $0x1BFF;
	s22 =	sshll.u32 s8, $0x1;
	s5 =	sadd.s32 s6, s20  }
0x9e: {  	s9 =	simm.s32 $0x0;
	s21 =	sshll.u32 s7, $0x1;
	s7 =	sadd.s32 s22, s5  }
0x9f: {  	[timem:s9], [sflag:s23] =	dma.local [hbm:s7], s21  }
0xa0: {  	_ =	swait.ge [sflag:s23], s21  }
0xa1: {  	s6 =	ssub.s32 $0x0, s21;
	[sflag:s23] =	ssyncset.done $0x0  }
0xa2: {  	[sflag:s23] =	ssyncadd.s32 s6;
	_ =	sdelay $0x1  }
0xa3: {  	s24 =	simm.s32 $0x1B8B  }
0xa4: {  	_ =	swait.ge [sflag:s24], $0x1  }
0xa5: {  	[sflag:s24] =	ssyncset.done $0x0  }
0xa6: {  	s25 =	simm.s32 $0x1B8E;
	[sflag:s24] =	ssyncadd.s32 $0xFFFFFFFF  }
0xa7: {  	s26 =	simm.s32 $execute0_lowered;
	[smem:$0x3FD2] =	sst s25  }
0xa8: {  	s6 =	sshll.u32 s26, $0x1;
	_ =	strace $0x80000046;
	[dreg:$0x1] =	wrdreg $0xFFFFFFFF  }
0xa9: {  	s28 =	simm.s32 $_size_execute0_lowered;
	s5 =	sadd.s32 s5, s6;
	[dreg:$0x0] =	wrdreg $0x0  }
0xaa: {  	s6 =	sshll.u32 s28, $0x1;
	[dreg:$0x2] =	wrdreg s5  }
0xab: {  	[dreg:$0x3] =	wrdreg s6  }
0xac: {  	[dreg:$0x4] =	wrdreg $0xC0  }
0xad: {  	_ =	task [dreg:s9], $0x5FFFF  }
0xae: {  	[dreg:$0x1] =	wrdreg $0xFFFFFFFF  }
0xaf: {  	[dreg:$0x0] =	wrdreg $0x60  }
0xb0: {  	[dreg:$0x2] =	wrdreg s2  }
0xb1: {  	[dreg:$0x3] =	wrdreg s19  }
0xb2: {  	[dreg:$0x4] =	wrdreg s4  }
0xb3: {  	[dreg:$0x5] =	wrdreg $0x9  }
0xb4: {  	_ =	task.clear_ibuf [dreg:s9], $0x6FFFF;
	_ =	strace $0x90000046  }
0xb5: {  	s29 =	simm.s32 $0x9;
	_ =	strace $0x80000048  }
0xb6: {  	_ =	swait.ge [sflag:s29], $0x1  }
0xb7: {  	[sflag:s29] =	ssyncadd.s32 $0xFFFFFFFF  }
0xb8: {  	_ =	strace $0x90000048  }
0xb9: {  	_ =	sfence  }
0xba: {  	s30 =	sld [smem:$0x0];
	_ =	sdelay $0x2  }
0xbb: {  	s31 =	sshll.u32 s1, $0xD;
	s1 =	sshrl.u32 s1, $0x2  }
0xbc: {  	s3 =	sand.u32 $0x4000, s31;
	s1 =	sadd.s32 s1, s30  }
0xbd: {  	s0 =	sor.u32 s3, s0;
	s1 =	sshll.u32 s1, $0x11  }
0xbe: {  	s0 =	sor.u32 s1, s0  }
0xbf: {  	s0 =	sadd.s32 $0x8F2B, s0  }
0xc0: {  	[sflag:s0] =	ssyncadd.remote.s32 $0x1  }
0xc1: {  	_ =	sfence.sel $0xFFFF  }
0xc2: {  	[dreg:$0x0] =	wrdreg $0xFFFFFFFF;
	(pc) =	sbr.abs _section_cstart, $3  }
0xc3: {  	[dreg:$0x1] =	wrdreg $0xFFFFFFFF  }
0xc4: {  	_ =	task.clear_ibuf [dreg:s9], $0x2FFFF;
	_ =	strace $0x9FFFFFFF  }
0xc5: {  	(tm) =	ssettm $0x7FFFFFFF  }
tec
execute0_lowered:
.L_overlay_start_1:
0x0: {  	(tag) =	ssettag $0x1  }
0x1: {  	s1 =	rddreg [dreg:$0x0]  }
0x2: {  	s5 =	rddreg [dreg:$0x1]  }
0x3: {  	s2 =	rddreg [dreg:$0x2];
	s4 =	srdreg.scid  }
0x4: {  	s0 =	rddreg [dreg:$0x3];
	s3 =	simm.s32 $0x0;
	s12 =	simm.s32 $0x400  }
0x5: {  	s13 =	simm.s32 $0x8000;
	s14 =	simm.s32 $0x1800;
	s15 =	simm.s32 $0x5  }
0x6: {  	s16 =	simm.s32 $0x80;
	s17 =	simm.s32 $0x1C00;
	s18 =	simm.s32 $0x5C00  }
0x7: {  	s19 =	simm.s32 $0x1;
	s20 =	simm.s32 $0x2;
	s21 =	simm.s32 $0x3  }
0x8: {  	s22 =	simm.s32 $0x100;
	s23 =	simm.s32 $0x4;
	s24 =	simm.s32 $0x0  }
0x9: {  	s6 =	sand.u32 $0x1, s4;
	[smem:$0x7FF] =	sst s3;
	s4 =	stileid.u32  }
0xa: {  	s7 =	ssub.s32 $0x2, s6;
	_ =	strace $0x80000047;
	s30 =	sshll.u32 s4, $0x8  }
0xb: {  	s9 =	sshll.u32 s6, $0x7;
	s31 =	sshll.u32 s4, $0xF;
	s6 =	sshll.u32 s6, $0xE  }
.Ltmp0:
0xc: {  	s8 =	sshrl.u32 s7, $0x1;
	s10 =	sor.u32 s6, s31;
	(pc) =	sbr.rel .LBB2_1-.Ltmp0, $4  }
0xd: {  	s8 =	ssub.s32 s7, s8;
	s7 =	sor.u32 s9, s30;
	s11 =	sor.u32 $0x180000, s10  }
0xe: {  	s10 =	sor.u32 $0x100000, s10;
	s5 =	sadd.s32 s5, s7;
	s7 =	sshll.u32 s7, $0x4  }
0xf: {  	s8 =	smax.u32 s8, $0x1;
	s11 =	sshrl.u32 s11, $0x3;
	s7 =	sadd.s32 s2, s7  }
0x10: {  	s6 =	sadd.s32 $0x6000, s5;
	s11 =	sadd.s32 s11, s2;
	s9 =	sadd.s32 $0x10000, s7  }
.LBB2_4:
0x11: {  	s24 =	sadd.s32 $0x1, s24  }
0x12: {  	p0 =	sne.s32 s24, s8  }
.Ltmp1:
0x13: {  	_ = 	snop;
	(pc) =	sbr.rel @!p0 .LBB2_5-.Ltmp1, $4  }
0x14: {  	_ = 	snop  }
0x15: {  	_ =	swait.ge [sflag:s23], $0x4000  }
0x16: {  	[sflag:s23] =	ssyncset.done $0x0  }
0x17: {  	[sflag:s23] =	ssyncadd.s32 $0xFFFFC000  }
.LBB2_1:
0x18: {  	[tilespmem:s3], [sflag:$0x5] =	stream.strided.gather [hbm4b:s5+s12], $0x1800, s13, s12, $0x38;
	[tilespmem:$0x9C00] =	vst v63  }
0x19: {  	_ = 	snop  }
0x1a: {  	[tilespmem:s14], [sflag:$0x5] =	stream.linear.gather [hbm4b:s6+s3], $0x100, $0x38;
	[tilespmem:$0x9C00] =	vst v63  }
0x1b: {  	_ =	swait.ge [sflag:s15], $0x1900  }
0x1c: {  	[sflag:s15] =	ssyncset.done $0x0  }
0x1d: {  	[sflag:s15] =	ssyncadd.s32 $0xFFFFE700  }
0x1e: {  	[tilespmem:s17], [sflag:$0x1] =	stream.indirect.gather [hbm4b:s1+s16], $0x80, s3, s16, $0xb8;
	[tilespmem:$0x9C00] =	vst v63  }
0x1f: {  	_ = 	snop  }
0x20: {  	[tilespmem:s18], [sflag:$0x2] =	stream.indirect.gather [hbm4b:s1+s16], $0x80, s16, s16, $0xb8;
	[tilespmem:$0x9C00] =	vst v63  }
0x21: {  	_ =	swait.ge [sflag:s19], $0x4000  }
0x22: {  	[sflag:s19] =	ssyncset.done $0x0  }
0x23: {  	[sflag:s19] =	ssyncadd.s32 $0xFFFFC000  }
0x24: {  	[hbm4b:s7+s3] =	stream.linear.scatter [tilespmem:s17], [sflag:$0x3], $0x4000, $0x38;
	[tilespmem:$0x9C00] =	vst v63  }
0x25: {  	_ =	swait.ge [sflag:s20], $0x4000  }
0x26: {  	[sflag:s20] =	ssyncset.done $0x0  }
0x27: {  	[sflag:s20] =	ssyncadd.s32 $0xFFFFC000  }
0x28: {  	[hbm4b:s9+s3] =	stream.linear.scatter [tilespmem:s18], [sflag:$0x4], $0x4000, $0x38;
	[tilespmem:$0x9C00] =	vst v63  }
0x29: {  	_ =	swait.ge [sflag:s21], $0x4000  }
0x2a: {  	s25 =	simm.s32 $0x200;
	[sflag:s21] =	ssyncset.done $0x0  }
0x2b: {  	s26 =	simm.s32 $0x0;
	s28 =	smov.u32 s10;
	[sflag:s21] =	ssyncadd.s32 $0xFFFFC000  }
0x2c: {  	[tilespmem:s17], [sflag:$0x1] =	stream.indirect.gather [hbm4b:s1+s16], $0x80, s22, s16, $0xb8;
	[tilespmem:$0x9C00] =	vst v63  }
.LBB2_2:
0x2d: {  	_ =	swait.ge [sflag:s19], $0x4000  }
0x2e: {  	s29 =	sshrl.u32 s28, $0x3;
	[sflag:s19] =	ssyncset.done $0x0  }
0x2f: {  	s29 =	sadd.s32 s2, s29;
	[sflag:s19] =	ssyncadd.s32 $0xFFFFC000  }
0x30: {  	[hbm4b:s29+s3] =	stream.linear.scatter [tilespmem:s17], [sflag:$0x3], $0x4000, $0x38;
	[tilespmem:$0x9C00] =	vst v63  }
0x31: {  	_ =	swait.ge [sflag:s23], $0x4000  }
0x32: {  	[sflag:s23] =	ssyncset.done $0x0  }
0x33: {  	s30 =	sadd.s32 $0xFFFFFF80, s25;
	[sflag:s23] =	ssyncadd.s32 $0xFFFFC000  }
0x34: {  	[tilespmem:s18], [sflag:$0x2] =	stream.indirect.gather [hbm4b:s1+s16], $0x80, s30, s16, $0xb8;
	[tilespmem:$0x9C00] =	vst v63  }
0x35: {  	_ =	swait.ge [sflag:s20], $0x4000  }
0x36: {  	p0 =	seq.s32 s26, $0x2E0000;
	[sflag:s20] =	ssyncset.done $0x0  }
.Ltmp2:
0x37: {  	s31 =	sadd.s32 s26, s11;
	[sflag:s20] =	ssyncadd.s32 $0xFFFFC000;
	(pc) =	sbr.rel @p0 .LBB2_4-.Ltmp2, $4  }
0x38: {  	[hbm4b:s31+s3] =	stream.linear.scatter [tilespmem:s18], [sflag:$0x4], $0x4000, $0x38;
	[tilespmem:$0x9C00] =	vst v63  }
0x39: {  	_ =	swait.ge [sflag:s21], $0x4000  }
0x3a: {  	[sflag:s21] =	ssyncset.done $0x0  }
0x3b: {  	[sflag:s21] =	ssyncadd.s32 $0xFFFFC000  }
.Ltmp3:
0x3c: {  	(pc) =	sbr.rel .LBB2_2-.Ltmp3, $3  }
0x3d: {  	_ =	sdelay $0x1  }
0x3e: {  	[tilespmem:s17], [sflag:$0x1] =	stream.indirect.gather [hbm4b:s1+s16], $0x80, s25, s16, $0xb8;
	[tilespmem:$0x9C00] =	vst v63  }
0x3f: {  	s25 =	sadd.s32 $0x100, s25;
	s28 =	sadd.s32 $0x100000, s28;
	s26 =	sadd.s32 $0x20000, s26  }
.LBB2_5:
0x40: {  	_ =	sfence.sel $0x180000  }
0x41: {  	[bflag:$0x0] =	sbarrier.arrive $0xFFFF  }
0x42: {  	p0 =	sne.s32 s4, $0x0;
	_ =	strace $0x90000047  }
0x43: {  	s0 =	sadd.s32 @!p0 $0x100000, s0;
	[bflag:$0x2] =	sbarrier.arrive $0xFFFF  }
0x44: {  	[sflag:s0] =	ssyncadd.tile.s32 @!p0 $0x1;
	_ =	shalt  }
.Lfunc_end2:
_tile_overlayer_lowered:
.L_overlay_start_2:
0x45: {  	(tag) =	ssettag $0x2  }
0x46: {  	s0 =	rddreg [dreg:$0x0];
	s2 =	stileid.u32  }
0x47: {  	s1 =	rddreg [dreg:$0x1];
	p0 =	sne.s32 s2, $0x0  }
0x48: {  	s3 =	rddreg [dreg:$0x2];
	[bflag:$0x3] =	sbarrier.arrive $0xFFFF;
	s2 =	simm.s32 @!p0 $0x1C05  }
0x49: {  	[timem:s3], [sflag:s2] =	dma.local @!p0 [hbm:s0], s1  }
0x4a: {  	s0 =	simm.s32 @!p0 $0x5  }
0x4b: {  	_ =	swait.ge @!p0 [sflag:s0], s1  }
0x4c: {  	s1 =	ssub.s32 @!p0 $0x0, s1;
	[sflag:s0] =	ssyncset.done @!p0 $0x0  }
0x4d: {  	[sflag:s0] =	ssyncadd.s32 @!p0 s1  }
0x4e: {  	[bflag:$0x3] =	sbarrier.arrive $0xFFFF  }
0x4f: {  	_ =	shalt  }

</sc_bundles>
